<compile_context>
chip_gen: v7x
topology: tpu7x:2x2x1
jax: 0.10.2.dev20260603
libtpu: 0.0.44.dev20260713+nightly
codegen_flags: <defaults>
</compile_context>

<pallas_src>
import functools

import jax
import jax.numpy as jnp
import numpy as np
from jax.experimental import pallas as pl

K = 12
R = 512


def _onehot_block(x_ref, e_ref, o_ref):
    xb = x_ref[...].astype(jnp.bfloat16)
    rep = jax.lax.dot_general(
        xb, e_ref[...], (((1,), (0,)), ((), ())),
        preferred_element_type=jnp.float32)
    kpat = (jax.lax.broadcasted_iota(jnp.int32, (8, o_ref.shape[1]), 1) % K
            ).astype(jnp.float32)
    o_ref[...] = (rep == kpat[0:1, :]).astype(jnp.float32)


def kernel(inputs):
    B, S = inputs.shape
    W = S * K
    x = inputs.astype(jnp.int32)
    j = np.arange(S)
    expand = jnp.asarray(
        (np.arange(W) // K == j[:, None]).astype(np.float32),
        dtype=jnp.bfloat16)
    out = pl.pallas_call(
        _onehot_block,
        grid=(B // R,),
        in_specs=[
            pl.BlockSpec((R, S), lambda i: (i, 0)),
            pl.BlockSpec((S, W), lambda i: (0, 0)),
        ],
        out_specs=pl.BlockSpec((R, W), lambda i: (i, 0)),
        out_shape=jax.ShapeDtypeStruct((B, W), jnp.float32),
    )(x, expand)
    return out.reshape(B, S, K)

# --- scband reference (transcript-rebuilt; emitter-appended) ---
"""Pipeline reference for scband-custom-hot-16363825398355 (READ-ONLY COPY).

The authoritative reference and input builder live on the scoring server;
editing this copy changes nothing except your own understanding.
"""

import jax, jax.numpy as jnp
import numpy as np

def setup_inputs(seed: int = 0) -> dict:
    key = jax.random.key(seed)
    inputs = jax.random.randint(key, (16384, 200), 0, 12, dtype=jnp.int64)
    return {"inputs": inputs}

def reference(inputs):
    # tf.one_hot(inputs, 12) -> float32 one-hot along new last axis
    return jax.nn.one_hot(inputs, 12, dtype=jnp.float32)

if __name__ == "__main__":
    import jax
    _d = setup_inputs()
    print(jax.jit(kernel)(*tuple(_d.values())))

</pallas_src>

<mosaic_0001>
module attributes {stable_mosaic.version = 14 : i64} {
  func.func @_onehot_block(%arg0: i32, %arg1: memref<512x200xi32, #tpu.memory_space<vmem>>, %arg2: memref<200x2400xbf16, #tpu.memory_space<vmem>>, %arg3: memref<512x2400xf32, #tpu.memory_space<vmem>>) attributes {dimension_semantics = [#tpu.dimension_semantics<arbitrary>], iteration_bounds = array<i64: 32>, scalar_prefetch = 0 : i64, scratch_operands = 0 : i64, tpu.core_type = #tpu.core_type<tc>, window_params = [{transform_indices = @transform_0, window_bounds = array<i64: 512, 200>}, {pipeline_mode = #tpu.pipeline_mode<synchronous>, transform_indices = @transform_1, window_bounds = array<i64: 200, 2400>}, {transform_indices = @transform_2, window_bounds = array<i64: 512, 2400>}]} {
    %get3A = arith.constant 0 : index
    %get3A_0 = arith.constant 0 : index
    %get3A_1 = vector.load %arg1[%get3A, %get3A_0] : memref<512x200xi32, #tpu.memory_space<vmem>>, vector<512x200xi32>
    %convert_element_type3A = arith.sitofp %get3A_1 : vector<512x200xi32> to vector<512x200xbf16>
    %get3A_2 = arith.constant 0 : index
    %get3A_3 = arith.constant 0 : index
    %get3A_4 = vector.load %arg2[%get3A_2, %get3A_3] : memref<200x2400xbf16, #tpu.memory_space<vmem>>, vector<200x2400xbf16>
    %dot_general3A = arith.constant dense<0.000000e+00> : vector<512x2400xf32>
    %dot_general3A_5 = tpu.matmul %convert_element_type3A, %get3A_4, %dot_general3A {dimension_numbers = #tpu.dot_dimension_numbers<[1], [0], [0], [1], [0, 0, 1, 1], [], []>, transpose_lhs_hint = false} : vector<512x200xbf16>, vector<200x2400xbf16>, vector<512x2400xf32> -> vector<512x2400xf32>
    %iota3A = tpu.iota {dimensions = array<i32: 1>} : vector<8x2400xi32>
    %jit3A = arith.constant 12 : i32
    %eq3A = arith.constant 0 : i32
    %eq3A_6 = arith.cmpi eq, %jit3A, %eq3A : i32
    %jit3A_7 = arith.constant 1 : i32
    %select_n3A = arith.select %eq3A_6, %jit3A_7, %jit3A : i32
    %rem3A = vector.broadcast %select_n3A : i32 to vector<8x2400xi32>
    %rem3A_8 = arith.remsi %iota3A, %rem3A : vector<8x2400xi32>
    %ne3A = arith.constant 0 : i32
    %ne3A_9 = vector.broadcast %ne3A : i32 to vector<8x2400xi32>
    %ne3A_10 = arith.cmpi ne, %rem3A_8, %ne3A_9 : vector<8x2400xi32>
    %lt3A = arith.constant 0 : i32
    %lt3A_11 = vector.broadcast %lt3A : i32 to vector<8x2400xi32>
    %lt3A_12 = arith.cmpi slt, %rem3A_8, %lt3A_11 : vector<8x2400xi32>
    %lt3A_13 = arith.constant 0 : i32
    %lt3A_14 = arith.cmpi slt, %select_n3A, %lt3A_13 : i32
    %ne3A_15 = vector.broadcast %lt3A_14 : i1 to vector<8x2400xi1>
    %ne3A_16 = vector.broadcast %ne3A_15 : vector<8x2400xi1> to vector<8x2400xi1>
    %ne3A_17 = arith.xori %lt3A_12, %ne3A_16 : vector<8x2400xi1>
    %and3A = arith.andi %ne3A_17, %ne3A_10 : vector<8x2400xi1>
    %add3A = vector.broadcast %select_n3A : i32 to vector<8x2400xi32>
    %add3A_18 = arith.addi %rem3A_8, %add3A : vector<8x2400xi32>
    %select_n3A_19 = arith.select %and3A, %add3A_18, %rem3A_8 : vector<8x2400xi1>, vector<8x2400xi32>
    %convert_element_type3A_20 = arith.sitofp %select_n3A_19 : vector<8x2400xi32> to vector<8x2400xf32>
    %slice3A = vector.extract_strided_slice %convert_element_type3A_20 {offsets = [0, 0], sizes = [1, 2400], strides = [1, 1]} : vector<8x2400xf32> to vector<1x2400xf32>
    %eq3A_21 = vector.broadcast %slice3A : vector<1x2400xf32> to vector<512x2400xf32>
    %eq3A_22 = arith.cmpf oeq, %dot_general3A_5, %eq3A_21 : vector<512x2400xf32>
    %convert_element_type3A_23 = arith.extui %eq3A_22 : vector<512x2400xi1> to vector<512x2400xi32>
    %convert_element_type3A_24 = arith.sitofp %convert_element_type3A_23 : vector<512x2400xi32> to vector<512x2400xf32>
    %swap3A = arith.constant 0 : index
    %swap3A_25 = arith.constant 0 : index
    %swap3A_26 = vector.load %arg3[%swap3A, %swap3A_25] : memref<512x2400xf32, #tpu.memory_space<vmem>>, vector<512x2400xf32>
    tpu.vector_store %arg3[%swap3A, %swap3A_25], %convert_element_type3A_24 {strides = array<i32>} : memref<512x2400xf32, #tpu.memory_space<vmem>>, vector<512x2400xf32>,
    return
  }
  func.func @transform_0(%arg0: i32) -> (i32, i32) {
    %c0_i32 = arith.constant 0 : i32
    %c0_i32_0 = arith.constant 0 : i32
    return %arg0, %c0_i32 : i32, i32
  }
  func.func @transform_1(%arg0: i32) -> (i32, i32) {
    %c0_i32 = arith.constant 0 : i32
    %c0_i32_0 = arith.constant 0 : i32
    %c0_i32_1 = arith.constant 0 : i32
    return %c0_i32, %c0_i32_0 : i32, i32
  }
  func.func @transform_2(%arg0: i32) -> (i32, i32) {
    %c0_i32 = arith.constant 0 : i32
    %c0_i32_0 = arith.constant 0 : i32
    return %arg0, %c0_i32 : i32, i32
  }
}

</mosaic_0001>

<sc_bundles>
// kernel: sparse-core-data-format-call.cloned.1.call-start
scs
called_computation_lowered:
.L_overlay_start_0:
0x0: {  	s2 =	sld [smem:$0x3FD9]  }
0x1: {  	s3 =	sld [smem:$0x3FFE];
	_ =	sdelay $0x1  }
0x2: {  	s1 =	srdreg.scid  }
0x3: {  	s0 =	sand.u32 $0x1, s1  }
0x4: {  	s18 =	sshll.u32 s0, $0xA;
	s2 =	sadd.s32 s3, s2  }
0x5: {  	s2 =	sadd.s32 s2, s18  }
0x6: {  	[smem:$0x3FC7] =	sst s2  }
0x7: {  	_ = 	snop  }
0x8: {  	s2 =	sld [smem:$0x3FD0];
	(tm) =	ssettm $0x1  }
0x9: {  	s19 =	sld [smem:$0x3FFB];
	_ =	sdelay $0x3  }
0xa: {  	_ =	strace s19  }
0xb: {  	s3 =	sld [smem:$0x3FFC];
	_ =	sdelay $0x3  }
0xc: {  	_ =	strace s3  }
0xd: {  	s3 =	sld [smem:$0x3FFD];
	_ =	sdelay $0x3  }
0xe: {  	_ =	strace s3  }
0xf: {  	_ =	strace $0x8FFFFFFF  }
0x10: {  	s20 =	sld [smem:$0x3FDB];
	_ =	sdelay $0x1  }
0x11: {  	s4 =	simm.s32 $_scs_section_size  }
0x12: {  	s5 =	simm.s32 $_size__tile_overlayer_lowered;
	s6 =	simm.s32 $_tile_overlayer_lowered  }
0x13: {  	s23 =	simm.s32 $0x1BFF;
	s22 =	sshll.u32 s6, $0x1;
	s3 =	sadd.s32 s4, s20  }
0x14: {  	s7 =	simm.s32 $0x0;
	s21 =	sshll.u32 s5, $0x1;
	s5 =	sadd.s32 s22, s3  }
0x15: {  	[timem:s7], [sflag:s23] =	dma.local [hbm:s5], s21  }
0x16: {  	_ =	swait.ge [sflag:s23], s21  }
0x17: {  	s4 =	ssub.s32 $0x0, s21;
	[sflag:s23] =	ssyncset.done $0x0  }
0x18: {  	[sflag:s23] =	ssyncadd.s32 s4;
	_ =	sdelay $0x1  }
0x19: {  	s24 =	simm.s32 $0x1B8B  }
0x1a: {  	_ =	swait.ge [sflag:s24], $0x1  }
0x1b: {  	[sflag:s24] =	ssyncset.done $0x0  }
0x1c: {  	s26 =	simm.s32 $0x1B8E;
	s25 =	sld [smem:$0x3FFE];
	[sflag:s24] =	ssyncadd.s32 $0xFFFFFFFF  }
0x1d: {  	s27 =	simm.s32 $execute0_lowered;
	[smem:$0x3FD2] =	sst s26  }
0x1e: {  	s5 =	sshll.u32 s27, $0x1;
	_ =	strace $0x80000046;
	[dreg:$0x1] =	wrdreg $0xFFFFFFFF  }
0x1f: {  	s28 =	simm.s32 $_size_execute0_lowered;
	s3 =	sadd.s32 s3, s5;
	[dreg:$0x0] =	wrdreg $0x0  }
0x20: {  	s5 =	sshll.u32 s28, $0x1;
	[dreg:$0x2] =	wrdreg s3  }
0x21: {  	[dreg:$0x3] =	wrdreg s5  }
0x22: {  	[dreg:$0x4] =	wrdreg $0xC0  }
0x23: {  	_ =	task [dreg:s7], $0x5FFFF  }
0x24: {  	[dreg:$0x1] =	wrdreg $0xFFFFFFFF  }
0x25: {  	[dreg:$0x0] =	wrdreg $0x60  }
0x26: {  	[dreg:$0x2] =	wrdreg s25  }
0x27: {  	[dreg:$0x3] =	wrdreg s2  }
0x28: {  	[dreg:$0x4] =	wrdreg $0x9  }
0x29: {  	_ =	task.clear_ibuf [dreg:s7], $0x5FFFF;
	_ =	strace $0x90000046  }
0x2a: {  	s29 =	simm.s32 $0x9;
	_ =	strace $0x80000048  }
0x2b: {  	_ =	swait.ge [sflag:s29], $0x1  }
0x2c: {  	[sflag:s29] =	ssyncadd.s32 $0xFFFFFFFF  }
0x2d: {  	_ =	strace $0x90000048  }
0x2e: {  	_ =	sfence  }
0x2f: {  	s30 =	sld [smem:$0x0];
	_ =	sdelay $0x2  }
0x30: {  	s31 =	sshll.u32 s1, $0xD;
	s1 =	sshrl.u32 s1, $0x2  }
0x31: {  	s3 =	sand.u32 $0x4000, s31;
	s1 =	sadd.s32 s1, s30  }
0x32: {  	s0 =	sor.u32 s3, s0;
	s1 =	sshll.u32 s1, $0x11  }
0x33: {  	s0 =	sor.u32 s1, s0  }
0x34: {  	s0 =	sadd.s32 $0x8F2B, s0  }
0x35: {  	[sflag:s0] =	ssyncadd.remote.s32 $0x1  }
0x36: {  	_ =	sfence.sel $0xFFFF  }
0x37: {  	[dreg:$0x0] =	wrdreg $0xFFFFFFFF;
	(pc) =	sbr.abs _section_cstart, $3  }
0x38: {  	[dreg:$0x1] =	wrdreg $0xFFFFFFFF  }
0x39: {  	_ =	task.clear_ibuf [dreg:s7], $0x2FFFF;
	_ =	strace $0x9FFFFFFF  }
0x3a: {  	(tm) =	ssettm $0x7FFFFFFF  }
0x3b: {  	_ =	shalt  }
tec
execute0_lowered:
.L_overlay_start_1:
0x0: {  	(tag) =	ssettag $0x1  }
0x1: {  	s0 =	srdreg.scid  }
0x2: {  	s1 =	sshll.u32 s0, $0x4  }
0x3: {  	s6 =	rddreg [dreg:$0x0];
	s0 =	stileid.u32;
	s1 =	sand.u32 $0x10, s1  }
0x4: {  	s3 =	rddreg [dreg:$0x1];
	s1 =	sor.u32 s0, s1  }
0x5: {  	s5 =	simm.s32 $0x1;
	s31 =	simm.s32 $0x2;
	s2 =	sshll.u32 s1, $0x7  }
0x6: {  	s14 =	simm.s32 $0x0;
	s8 =	simm.s32 $0x320000;
	s4 =	ssub.s32 $0x4000, s2  }
0x7: {  	s9 =	simm.s32 $0x0;
	s15 =	simm.s32 $0x0;
	s30 =	sand.u32 $0xF80, s4  }
0x8: {  	s16 =	simm.s32 $0x0;
	s11 =	simm.s32 $0x0;
	p0 =	sne.s32 s30, $0x0  }
.Ltmp0:
0x9: {  	s7 =	sshrl.u32 s4, $0xC;
	s5 =	simm.s32 @!p0 $0x0;
	(pc) =	sbr.rel .LBB1_1-.Ltmp0, $4  }
0xa: {  	s12 =	simm.s32 $0x0;
	s1 =	rddreg [dreg:$0x2];
	s5 =	sadd.s32 s5, s7  }
0xb: {  	_ =	strace $0x80000047;
	s4 =	simm.s32 $0x1;
	s5 =	smul.u32 $0x4B, s5  }
0xc: {  	s13 =	simm.s32 $0x0;
	s6 =	sadd.s32 $0x600, s6;
	[sflag:s4] =	ssyncpa.u1 $0x0  }
0xd: {  	s10 =	smov.u32 s2;
	[sflag:s31] =	ssyncpa.u1 $0x0;
	s7 =	sadd.s32 $0x1, s5  }
.LBB1_7:
0xe: {  	s17 =	sadd.s32 $0x1000, s10  }
0xf: {  	s14 =	sadd.s32 $0x4, s11;
	s18 =	smov.u32 s11;
	p1 =	sgt.s32 s17, $0x3FFF  }
0x10: {  	s18 =	smov.u32 @p1 s14  }
0x11: {  	s20 =	smov.u32 s12;
	s14 =	sadd.s32 $0x8, s12;
	p2 =	sgt.s32 s18, $0xB  }
0x12: {  	s20 =	smov.u32 @p2 s14  }
0x13: {  	s17 =	smov.u32 @p1 s2;
	p1 =	sgt.s32 s20, $0xC7  }
0x14: {  	p0 =	slt.u32 s13, $0x2;
	s20 =	simm.s32 @p1 $0x0;
	p1 =	sne.s32 s13, s7  }
.Ltmp1:
0x15: {  	s19 =	simm.s32 @!p0 $0x2;
	(pc) =	sbr.rel @!p1 .LBB1_8-.Ltmp1, $4  }
0x16: {  	s15 =	smov.u32 s11;
	s16 =	smov.u32 s12;
	_ =	swait.ge @!p0 [sflag:s19], $0x1000  }
0x17: {  	s9 =	sadd.s32 $0x1000, s9;
	[sflag:s19] =	ssyncset.done @!p0 $0x0;
	s18 =	simm.s32 @p2 $0x0  }
0x18: {  	s14 =	smov.u32 s10;
	[sflag:s19] =	ssyncadd.s32 @!p0 $0xFFFFF000;
	s10 =	smov.u32 s17  }
0x19: {  	s11 =	smov.u32 s18;
	s13 =	sadd.s32 $0x1, s13;
	s12 =	smov.u32 s20  }
.LBB1_1:
0x1a: {  	p0 =	sge.u32 s13, s5;
	s31 =	sadd.s32 $0xFFFFFFFF, s13  }
0x1b: {  	s17 =	sxor.u32 @!p0 $0xFFFFFFFF, s13;
	s18 =	sand.u32 @!p0 $0x78, s10;
	s19 =	sshll.u32 @!p0 s11, $0xE  }
0x1c: {  	s20 =	sshll.u32 @!p0 s11, $0x7;
	s21 =	sshll.u32 @!p0 s10, $0x3;
	s17 =	sshll.u32 @!p0 s17, $0xC  }
0x1d: {  	s19 =	sand.u32 @!p0 $0x20000, s19;
	s20 =	sand.u32 @!p0 $0x380, s20;
	s17 =	sand.u32 @!p0 $0x1000, s17  }
0x1e: {  	s19 =	sadd.s32 @!p0 s19, s21;
	s21 =	sand.u32 @!p0 $0x3C00, s21;
	s18 =	sor.u32 @!p0 s20, s18  }
0x1f: {  	s20 =	sshll.u32 @!p0 s12, $0xF;
	s18 =	sor.u32 @!p0 s21, s18;
	s19 =	sshrl.u32 @!p0 s19, $0x3  }
0x20: {  	s20 =	sadd.s32 @!p0 s6, s20;
	s21 =	sand.u32 @!p0 $0x7, s10;
	s19 =	sand.u32 @!p0 $0x7800, s19  }
0x21: {  	s18 =	sshrl.u32 @!p0 s18, $0x3;
	s19 =	sadd.s32 @!p0 s19, s20;
	s20 =	sshll.u32 @!p0 s21, $0x12  }
0x22: {  	s18 =	sadd.s32 @!p0 s18, s19;
	s19 =	sor.u32 @!p0 $0x200, s20;
	s20 =	simm.s32 @!p0 $0x40000  }
0x23: {  	[tilespmem:s17], [sflag:$0x1] =	stream.strided.gather @!p0 [hbm4b:s18+s19], $0x1000, s20, s19, $0x38;
	[tilespmem:$0x4000] =	vst v63  }
0x24: {  	p0 =	sge.u32 s31, s5  }
.Ltmp2:
0x25: {  	_ = 	snop;
	(pc) =	sbr.rel @p0 .LBB1_7-.Ltmp2, $1  }
0x26: {  	_ =	sdelay $0x3  }
0x27: {  	s17 =	sand.u32 $0x1000, s9  }
0x28: {  	_ =	swait.ge [sflag:s4], $0x1000;
	s20 =	sshll.u32 s13, $0xC;
	s18 =	sor.u32 $0x2040, s17  }
0x29: {  	s19 =	sor.u32 $0x40, s17;
	[sflag:s4] =	ssyncset.done $0x0;
	s31 =	sand.u32 $0x1000, s20  }
0x2a: {  	s20 =	simm.s32 $0x0;
	[sflag:s4] =	ssyncadd.s32 $0xFFFFF000;
	s17 =	sor.u32 $0x2000, s31  }
.LBB1_3:
0x2b: {  	v0 =	vmov s19;
	_ =	sdelay $0x3  }
0x2c: {  	s22 =	simm.s32 $0x0  }
0x2d: {  	v6 =	vld.idx.msk [tilespmem:v0+s22+$0x30 ss:$0x1], $0xffff  }
0x2e: {  	v7 =	vld.idx.msk [tilespmem:v0+s22+$0xFFFFFFC0 ss:$0x1], $0xffff  }
0x2f: {  	v5 =	vld.idx.msk [tilespmem:v0+s22+$0xFFFFFFD0 ss:$0x1], $0xffff  }
0x30: {  	v4 =	vld.idx.msk [tilespmem:v0+s22+$0xFFFFFFE0 ss:$0x1], $0xffff  }
0x31: {  	v3 =	vld.idx.msk [tilespmem:v0+s22+$0xFFFFFFF0 ss:$0x1], $0xffff  }
0x32: {  	v1 =	vld.idx.msk [tilespmem:v0+s22+$0x0 ss:$0x1], $0xffff  }
0x33: {  	v2 =	vld.idx.msk [tilespmem:v0+s22+$0x10 ss:$0x1], $0xffff;
	[tilespmem:s18+$0x30] =	vst v6  }
0x34: {  	s21 =	simm.s32 $0x80;
	s23 =	simm.s32 $0x400;
	[tilespmem:s18+$0xFFFFFFC0] =	vst v7;
	v6 =	vld.idx.msk [tilespmem:v0+s22+$0x20 ss:$0x1], $0xffff;
	s22 =	smov.u32 s18  }
.LBB1_4:
0x35: {  	p0 =	sne.s32 s23, $0x600;
	v7 =	vld.idx.msk [tilespmem:v0+s21+$0x30 ss:$0x1], $0xffff;
	[tilespmem:s22+$0xFFFFFFD0] =	vst v5  }
0x36: {  	v8 =	vld.idx.msk [tilespmem:v0+s21+$0xFFFFFFC0 ss:$0x1], $0xffff;
	[tilespmem:s22+$0xFFFFFFE0] =	vst v4  }
0x37: {  	v5 =	vld.idx.msk [tilespmem:v0+s21+$0xFFFFFFD0 ss:$0x1], $0xffff;
	[tilespmem:s22+$0xFFFFFFF0] =	vst v3  }
.Ltmp3:
0x38: {  	v4 =	vld.idx.msk [tilespmem:v0+s21+$0xFFFFFFE0 ss:$0x1], $0xffff;
	[tilespmem:s22+$0x0] =	vst v1;
	(pc) =	sbr.rel @p0 .LBB1_4-.Ltmp3, $4  }
0x39: {  	v3 =	vld.idx.msk [tilespmem:v0+s21+$0xFFFFFFF0 ss:$0x1], $0xffff;
	[tilespmem:s22+$0x10] =	vst v2  }
0x3a: {  	v1 =	vld.idx.msk [tilespmem:v0+s21+$0x0 ss:$0x1], $0xffff;
	[tilespmem:s22+$0x20] =	vst v6;
	s22 =	sadd.s32 $0x400, s22  }
0x3b: {  	v2 =	vld.idx.msk [tilespmem:v0+s21+$0x10 ss:$0x1], $0xffff;
	[tilespmem:s22+$0x30] =	vst v7  }
0x3c: {  	[tilespmem:s22+$0xFFFFFFC0] =	vst v8;
	v6 =	vld.idx.msk [tilespmem:v0+s21+$0x20 ss:$0x1], $0xffff;
	s21 =	sshra.s32 s23, $0x2;
	s23 =	sadd.s32 $0x200, s23  }
0x3d: {  	_ =	sdelay $0x2  }
0x3e: {  	[tilespmem:s22+$0xFFFFFFD0] =	vst v5  }
0x3f: {  	v56 =	vld.idx.msk [tilespmem:v0+s21+$0x30 ss:$0x1], $0xffff;
	[tilespmem:s22+$0xFFFFFFE0] =	vst v4  }
0x40: {  	v57 =	vld.idx.msk [tilespmem:v0+s21+$0xFFFFFFC0 ss:$0x1], $0xffff;
	[tilespmem:s22+$0xFFFFFFF0] =	vst v3  }
0x41: {  	v58 =	vld.idx.msk [tilespmem:v0+s21+$0xFFFFFFD0 ss:$0x1], $0xffff;
	[tilespmem:s22+$0x0] =	vst v1  }
0x42: {  	v59 =	vld.idx.msk [tilespmem:v0+s21+$0xFFFFFFE0 ss:$0x1], $0xffff;
	[tilespmem:s22+$0x10] =	vst v2  }
0x43: {  	v60 =	vld.idx.msk [tilespmem:v0+s21+$0xFFFFFFF0 ss:$0x1], $0xffff;
	s31 =	sadd.s32 $0x400, s22;
	[tilespmem:s22+$0x20] =	vst v6  }
0x44: {  	v61 =	vld.idx.msk [tilespmem:v0+s21+$0x0 ss:$0x1], $0xffff;
	[tilespmem:s31+$0x30] =	vst v56  }
0x45: {  	v62 =	vld.idx.msk [tilespmem:v0+s21+$0x10 ss:$0x1], $0xffff;
	s20 =	sadd.s32 $0x1, s20;
	[tilespmem:s31+$0xFFFFFFC0] =	vst v57  }
0x46: {  	v63 =	vld.idx.msk [tilespmem:v0+s21+$0x20 ss:$0x1], $0xffff;
	p0 =	sne.s32 s20, $0x8;
	[tilespmem:s31+$0xFFFFFFD0] =	vst v58  }
.Ltmp4:
0x47: {  	[tilespmem:s31+$0xFFFFFFE0] =	vst v59;
	(pc) =	sbr.rel @p0 .LBB1_3-.Ltmp4, $4  }
0x48: {  	[tilespmem:s31+$0xFFFFFFF0] =	vst v60  }
0x49: {  	[tilespmem:s31+$0x0] =	vst v61  }
0x4a: {  	[tilespmem:s31+$0x10] =	vst v62  }
0x4b: {  	s18 =	sadd.s32 $0x80, s18;
	s19 =	sadd.s32 $0x200, s19;
	[tilespmem:s31+$0x20] =	vst v63  }
0x4c: {  	s18 =	sshll.u32 s16, $0xE  }
0x4d: {  	s19 =	sshll.u32 s14, $0x3;
	s18 =	sand.u32 $0xFFFE0000, s18  }
0x4e: {  	s18 =	sadd.s32 s18, s19  }
0x4f: {  	s18 =	sshrl.u32 s18, $0xE  }
0x50: {  	s30 =	sshll.u32 s16, $0x7;
	s20 =	smulhi.u32 $0x147AE15, s18  }
0x51: {  	s21 =	sand.u32 $0x78, s14;
	s15 =	smul.u32 $0x64000, s15;
	s16 =	sand.u32 $0x380, s30  }
0x52: {  	s16 =	sor.u32 s16, s21;
	s19 =	sand.u32 $0x3C00, s19;
	s20 =	smul.u32 $0xC8, s20  }
.Ltmp5:
0x53: {  	s31 =	sand.u32 $0x7, s14;
	s16 =	sor.u32 s19, s16;
	(pc) =	sbr.rel .LBB1_7-.Ltmp5, $4  }
0x54: {  	s15 =	sadd.s32 s3, s15;
	s16 =	sshrl.u32 s16, $0x3;
	s18 =	ssub.s32 s18, s20  }
0x55: {  	s14 =	sshll.u32 s31, $0x12;
	s15 =	sadd.s32 s16, s15;
	s18 =	sshll.u32 s18, $0xB  }
0x56: {  	s14 =	sor.u32 $0x400, s14;
	s15 =	sadd.s32 s18, s15  }
0x57: {  	[hbm4b:s15+s14] =	stream.strided.scatter [tilespmem:s17], [sflag:$0x2], $0x1000, s8, s14, $0x38;
	[tilespmem:$0x4000] =	vst v63  }
.LBB1_8:
0x58: {  	_ =	sfence.sel $0x180000  }
0x59: {  	s2 =	simm.s32 $0x1;
	[bflag:$0x0] =	sbarrier.arrive $0xFFFF  }
0x5a: {  	s31 =	simm.s32 $0x2;
	[sflag:s2] =	ssyncpa.u1 $0x1  }
0x5b: {  	[sflag:s31] =	ssyncpa.u1 $0x1  }
0x5c: {  	p0 =	sne.s32 s0, $0x0;
	_ =	strace $0x90000047  }
0x5d: {  	s0 =	sadd.s32 @!p0 $0x100000, s1;
	[bflag:$0x2] =	sbarrier.arrive $0xFFFF  }
0x5e: {  	[sflag:s0] =	ssyncadd.tile.s32 @!p0 $0x1;
	_ =	shalt  }
.Lfunc_end1:
_tile_overlayer_lowered:
.L_overlay_start_2:
0x5f: {  	(tag) =	ssettag $0x2  }
0x60: {  	s0 =	rddreg [dreg:$0x0];
	s2 =	stileid.u32  }
0x61: {  	s1 =	rddreg [dreg:$0x1];
	p0 =	sne.s32 s2, $0x0  }
0x62: {  	s3 =	rddreg [dreg:$0x2];
	[bflag:$0x3] =	sbarrier.arrive $0xFFFF;
	s2 =	simm.s32 @!p0 $0x1C01  }
0x63: {  	[timem:s3], [sflag:s2] =	dma.local @!p0 [hbm:s0], s1  }
0x64: {  	s0 =	simm.s32 @!p0 $0x1  }
0x65: {  	_ =	swait.ge @!p0 [sflag:s0], s1  }
0x66: {  	s1 =	ssub.s32 @!p0 $0x0, s1;
	[sflag:s0] =	ssyncset.done @!p0 $0x0  }
0x67: {  	[sflag:s0] =	ssyncadd.s32 @!p0 s1  }
0x68: {  	[bflag:$0x3] =	sbarrier.arrive $0xFFFF  }
0x69: {  	_ =	shalt  }

</sc_bundles>
